<compile_context>
chip_gen: v7x
topology: tpu7x:2x2x1
jax: 0.10.2.dev20260603
libtpu: 0.0.44.dev20260713+nightly
codegen_flags: <defaults>
</compile_context>

<pallas_src>
import functools

import jax
import jax.numpy as jnp
from jax import lax
from jax.experimental import pallas as pl
from jax.experimental.pallas import tpu as pltpu
from jax.experimental.pallas import tpu_sc as plsc

_B = 32
_K = 1024
_D = 32000
_KB = 128
_DB = 6400
_NUM_KB = _K // _KB
_NUM_DB = _D // _DB



def _dist_kernel(lat_ref, cb_ref, mind_ref, idx_ref, acc_ref, a2_ref):
    db = pl.program_id(0)
    kb = pl.program_id(1)
    lat = lat_ref[...]
    cb = cb_ref[...]
    dot = lax.dot_general(
        lat, cb, (((1,), (1,)), ((), ())),
        preferred_element_type=jnp.float32,
    )
    ones = jnp.ones((_DB, 1), jnp.float32)
    b2 = lax.dot_general(
        cb * cb, ones, (((1,), (0,)), ((), ())),
        precision=lax.Precision.HIGHEST,
        preferred_element_type=jnp.float32,
    )
    part = b2.reshape(1, _KB) - 2.0 * dot

    @pl.when(db == 0)
    def _():
        acc_ref[kb] = part

    @pl.when(db > 0)
    def _():
        acc_ref[kb] = acc_ref[kb] + part

    @pl.when(kb == 0)
    def _():
        a2p = lax.dot_general(
            lat * lat, ones, (((1,), (0,)), ((), ())),
            precision=lax.Precision.HIGHEST,
            preferred_element_type=jnp.float32,
        )

        @pl.when(db == 0)
        def _():
            a2_ref[...] = a2p

        @pl.when(db > 0)
        def _():
            a2_ref[...] = a2_ref[...] + a2p

    @pl.when((db == _NUM_DB - 1) & (kb == _NUM_KB - 1))
    def _():
        runmin = None
        runarg = None
        for k2 in range(_NUM_KB):
            d2 = acc_ref[k2]
            bmin = jnp.min(d2, axis=1, keepdims=True)
            lane = lax.broadcasted_iota(jnp.int32, d2.shape, 1)
            barg = jnp.min(jnp.where(d2 == bmin, lane, _K), axis=1,
                           keepdims=True) + k2 * _KB
            if k2 == 0:
                runmin, runarg = bmin, barg
            else:
                better = bmin < runmin
                runarg = jnp.where(better, barg, runarg)
                runmin = jnp.where(better, bmin, runmin)
        idx_ref[...] = runarg
        mind_ref[...] = jnp.sqrt(jnp.maximum(a2_ref[...] + runmin, 0.0))


def _distance_argmin(lat_flat, cb_flat):
    return pl.pallas_call(
        _dist_kernel,
        grid=(_NUM_DB, _NUM_KB),
        in_specs=[
            pl.BlockSpec((_B, _DB), lambda db, kb: (0, db)),
            pl.BlockSpec((_KB, _DB), lambda db, kb: (kb, db)),
        ],
        out_specs=[
            pl.BlockSpec((_B, 1), lambda db, kb: (0, 0)),
            pl.BlockSpec((_B, 1), lambda db, kb: (0, 0)),
        ],
        out_shape=[
            jax.ShapeDtypeStruct((_B, 1), jnp.float32),
            jax.ShapeDtypeStruct((_B, 1), jnp.int32),
        ],
        scratch_shapes=[
            pltpu.VMEM((_NUM_KB, _B, _KB), jnp.float32),
            pltpu.VMEM((_B, 1), jnp.float32),
        ],
    )(lat_flat, cb_flat)


@functools.lru_cache(maxsize=None)
def _make_sc_gather():
    info = plsc.get_sparse_core_info()
    num_cores = info.num_cores

    @functools.partial(
        pl.kernel,
        mesh=plsc.VectorSubcoreMesh(core_axis_name="c", subcore_axis_name="s"),
        out_type=jax.ShapeDtypeStruct((_B, _D), jnp.float32),
        compiler_params=pltpu.CompilerParams(use_tc_tiling_on_sc=True),
        scratch_types=[
            pltpu.VMEM((1,), jnp.int32),
            pltpu.VMEM((1, _D), jnp.float32),
            pltpu.SemaphoreType.DMA,
        ],
    )
    def _sc_gather(table_hbm, idx_hbm, out_hbm, idx_v, rows_v, sem):
        wid = lax.axis_index("s") * num_cores + lax.axis_index("c")
        pltpu.sync_copy(idx_hbm.at[wid], idx_v)
        pltpu.async_copy(table_hbm.at[idx_v], rows_v, sem).wait()
        pltpu.sync_copy(rows_v, out_hbm.at[pl.ds(wid, 1)])

    return _sc_gather


def kernel(latent, codebook):
    B = latent.shape[0]
    K = codebook.shape[0]
    lat_flat = latent.reshape(B, -1).astype(jnp.float32)
    cb_flat = codebook.reshape(K, -1).astype(jnp.float32)

    mind, idx2 = _distance_argmin(lat_flat, cb_flat)
    idx = idx2.reshape(B)
    mind = mind.reshape(B)

    quant = _make_sc_gather()(cb_flat, idx2)
    quantized = quant.reshape(latent.shape).astype(latent.dtype)
    return (quantized, idx, mind)

# --- scband reference (transcript-rebuilt; emitter-appended) ---
"""Pipeline reference for scband-audio-ddcmcodebook-2044404433535 (READ-ONLY COPY).

The authoritative reference and input builder live on the scoring server;
editing this copy changes nothing except your own understanding.
"""

import jax, jax.numpy as jnp
import numpy as np

CODEBOOK_SIZE = 1024
LATENT_SHAPE = (8, 250, 16)


def setup_inputs(seed: int = 0) -> dict:
    key = jax.random.key(seed)
    k1, k2 = jax.random.split(key)
    latent = jax.random.normal(k1, (32,) + LATENT_SHAPE, dtype=jnp.float32)
    codebook = jax.random.normal(k2, (CODEBOOK_SIZE,) + LATENT_SHAPE, dtype=jnp.float32)
    return {"latent": latent, "codebook": codebook}


def reference(latent, codebook):
    batch_size = latent.shape[0]
    K = codebook.shape[0]
    latent_flat = latent.reshape(batch_size, -1).astype(jnp.float32)
    codebook_flat = codebook.reshape(K, -1).astype(jnp.float32)
    # torch.cdist(p=2) equivalent via ||a||^2 + ||b||^2 - 2 a.b
    a2 = jnp.sum(latent_flat * latent_flat, axis=1, keepdims=True)
    b2 = jnp.sum(codebook_flat * codebook_flat, axis=1)[None, :]
    d2 = a2 + b2 - 2.0 * (latent_flat @ codebook_flat.T)
    distances = jnp.sqrt(jnp.maximum(d2, 0.0))
    min_distances = jnp.min(distances, axis=1)
    indices = jnp.argmin(distances, axis=1)
    quantized = jnp.take(codebook, indices, axis=0).astype(latent.dtype)
    return (quantized, indices, min_distances)

if __name__ == "__main__":
    import jax
    _d = setup_inputs()
    print(jax.jit(kernel)(*tuple(_d.values())))

</pallas_src>

<mosaic_0001>
#map = affine_map<(d0, d1) -> (0, 0)>
module attributes {stable_mosaic.version = 14 : i64} {
  func.func @_sc_gather(%arg0: i32, %arg1: i32, %arg2: memref<1024x32000xf32, #tpu.memory_space<hbm>>, %arg3: memref<32x1xi32, #tpu.memory_space<hbm>>, %arg4: memref<32x32000xf32, #tpu.memory_space<hbm>>, %arg5: memref<1xi32, #tpu.memory_space<vmem>>, %arg6: memref<1x32000xf32, #tpu.memory_space<vmem>>, %arg7: memref<!tpu.dma_semaphore, #tpu.memory_space<semaphore_mem>>) attributes {dimension_semantics = [#tpu.dimension_semantics<core_parallel>, #tpu.dimension_semantics<subcore_parallel>], iteration_bounds = array<i64: 2, 16>, scalar_prefetch = 0 : i64, scratch_operands = 3 : i64, tpu.core_type = #tpu.core_type<sc_vector_subcore>, window_params = [{transform_indices = #map}, {transform_indices = #map}, {transform_indices = #map}]} {
    %mul3A = arith.constant 2 : i32
    %mul3A_0 = arith.muli %arg1, %mul3A : i32
    %add3A = arith.addi %mul3A_0, %arg0 : i32
    "tpu.region"() ({
      %run_scoped3A = tpu.sem_alloc : memref<!tpu.dma_semaphore, #tpu.memory_space<semaphore_mem>>
      %dma_start3A_5 = arith.constant 0 : i32
      %dma_start3A_6 = tpu.memref_slice %arg3[%add3A, %dma_start3A_5] : memref<32x1xi32, #tpu.memory_space<hbm>> -> memref<1x1xi32, #tpu.memory_space<hbm>>
      %dma_start3A_7 = tpu.memref_squeeze %dma_start3A_6 : memref<1x1xi32, #tpu.memory_space<hbm>> -> memref<1xi32, #tpu.memory_space<hbm>>
      %dma_start3A_8 = arith.constant 0 : i32
      %dma_start3A_9 = tpu.memref_slice %arg3[%add3A, %dma_start3A_8] : memref<32x1xi32, #tpu.memory_space<hbm>> -> memref<1x1xi32, #tpu.memory_space<hbm>>
      %dma_start3A_10 = tpu.memref_squeeze %dma_start3A_9 : memref<1x1xi32, #tpu.memory_space<hbm>> -> memref<1xi32, #tpu.memory_space<hbm>>
      tpu.enqueue_dma source(%dma_start3A_10 : memref<1xi32, #tpu.memory_space<hbm>>) target(%arg5 : memref<1xi32, #tpu.memory_space<vmem>>) target_semaphore(%run_scoped3A : memref<!tpu.dma_semaphore, #tpu.memory_space<semaphore_mem>>)
      %dma_wait3A_11 = arith.constant 0 : i32
      %dma_wait3A_12 = tpu.memref_slice %arg3[%add3A, %dma_wait3A_11] : memref<32x1xi32, #tpu.memory_space<hbm>> -> memref<1x1xi32, #tpu.memory_space<hbm>>
      %dma_wait3A_13 = tpu.memref_squeeze %dma_wait3A_12 : memref<1x1xi32, #tpu.memory_space<hbm>> -> memref<1xi32, #tpu.memory_space<hbm>>
      %dma_wait3A_14 = arith.constant 0 : i32
      %dma_wait3A_15 = tpu.memref_slice %arg3[%add3A, %dma_wait3A_14] : memref<32x1xi32, #tpu.memory_space<hbm>> -> memref<1x1xi32, #tpu.memory_space<hbm>>
      %dma_wait3A_16 = tpu.memref_squeeze %dma_wait3A_15 : memref<1x1xi32, #tpu.memory_space<hbm>> -> memref<1xi32, #tpu.memory_space<hbm>>
      tpu.wait_dma2 semaphore(%run_scoped3A : memref<!tpu.dma_semaphore, #tpu.memory_space<semaphore_mem>>) src(%dma_wait3A_16 : memref<1xi32, #tpu.memory_space<hbm>>) dst(%arg5 : memref<1xi32, #tpu.memory_space<vmem>>)
      tpu.yield
    }) : () -> ()
    %dma_start3A = arith.constant 0 : i32
    %dma_start3A_1 = arith.constant 0 : i32
    %dma_start3A_2 = tpu.memref_slice %arg2[%dma_start3A, %dma_start3A_1] : memref<1024x32000xf32, #tpu.memory_space<hbm>> -> memref<1024x32000xf32, #tpu.memory_space<hbm>>
    tpu.enqueue_indirect_dma source(%dma_start3A_2 : memref<1024x32000xf32, #tpu.memory_space<hbm>>) target(%arg6 : memref<1x32000xf32, #tpu.memory_space<vmem>>) offsets(%arg5 : memref<1xi32, #tpu.memory_space<vmem>>) semaphore(%arg7 : memref<!tpu.dma_semaphore, #tpu.memory_space<semaphore_mem>>)
    %dma_wait3A = arith.constant 0 : i32
    %dma_wait3A_3 = arith.constant 0 : i32
    %dma_wait3A_4 = tpu.memref_slice %arg2[%dma_wait3A, %dma_wait3A_3] : memref<1024x32000xf32, #tpu.memory_space<hbm>> -> memref<1024x32000xf32, #tpu.memory_space<hbm>>
    tpu.wait_indirect_dma semaphore(%arg7 : memref<!tpu.dma_semaphore, #tpu.memory_space<semaphore_mem>>) src(%dma_wait3A_4 : memref<1024x32000xf32, #tpu.memory_space<hbm>>) dst(%arg6 : memref<1x32000xf32, #tpu.memory_space<vmem>>)
    "tpu.region"() ({
      %run_scoped3A = tpu.sem_alloc : memref<!tpu.dma_semaphore, #tpu.memory_space<semaphore_mem>>
      %dma_start3A_5 = arith.constant 0 : i32
      %dma_start3A_6 = tpu.memref_slice %arg4[%add3A, %dma_start3A_5] : memref<32x32000xf32, #tpu.memory_space<hbm>> -> memref<1x32000xf32, #tpu.memory_space<hbm>>
      %dma_start3A_7 = arith.constant 0 : i32
      %dma_start3A_8 = tpu.memref_slice %arg4[%add3A, %dma_start3A_7] : memref<32x32000xf32, #tpu.memory_space<hbm>> -> memref<1x32000xf32, #tpu.memory_space<hbm>>
      tpu.enqueue_dma source(%arg6 : memref<1x32000xf32, #tpu.memory_space<vmem>>) target(%dma_start3A_8 : memref<1x32000xf32, #tpu.memory_space<hbm>>) target_semaphore(%run_scoped3A : memref<!tpu.dma_semaphore, #tpu.memory_space<semaphore_mem>>)
      %dma_wait3A_9 = arith.constant 0 : i32
      %dma_wait3A_10 = tpu.memref_slice %arg4[%add3A, %dma_wait3A_9] : memref<32x32000xf32, #tpu.memory_space<hbm>> -> memref<1x32000xf32, #tpu.memory_space<hbm>>
      %dma_wait3A_11 = arith.constant 0 : i32
      %dma_wait3A_12 = tpu.memref_slice %arg4[%add3A, %dma_wait3A_11] : memref<32x32000xf32, #tpu.memory_space<hbm>> -> memref<1x32000xf32, #tpu.memory_space<hbm>>
      tpu.wait_dma2 semaphore(%run_scoped3A : memref<!tpu.dma_semaphore, #tpu.memory_space<semaphore_mem>>) src(%arg6 : memref<1x32000xf32, #tpu.memory_space<vmem>>) dst(%dma_wait3A_12 : memref<1x32000xf32, #tpu.memory_space<hbm>>)
      tpu.yield
    }) : () -> ()
    return
  }
}

module attributes {stable_mosaic.version = 14 : i64} {
  func.func @_dist_kernel(%arg0: i32, %arg1: i32, %arg2: memref<32x6400xf32, #tpu.memory_space<vmem>>, %arg3: memref<128x6400xf32, #tpu.memory_space<vmem>>, %arg4: memref<32x1xf32, #tpu.memory_space<vmem>>, %arg5: memref<32x1xi32, #tpu.memory_space<vmem>>, %arg6: memref<8x32x128xf32, #tpu.memory_space<vmem>>, %arg7: memref<32x1xf32, #tpu.memory_space<vmem>>) attributes {dimension_semantics = [#tpu.dimension_semantics<arbitrary>, #tpu.dimension_semantics<arbitrary>], iteration_bounds = array<i64: 5, 8>, scalar_prefetch = 0 : i64, scratch_operands = 2 : i64, tpu.core_type = #tpu.core_type<tc>, window_params = [{transform_indices = @transform_0, window_bounds = array<i64: 32, 6400>}, {transform_indices = @transform_1, window_bounds = array<i64: 128, 6400>}, {pipeline_mode = #tpu.pipeline_mode<synchronous>, transform_indices = @transform_2, window_bounds = array<i64: 32, 1>}, {pipeline_mode = #tpu.pipeline_mode<synchronous>, transform_indices = @transform_3, window_bounds = array<i64: 32, 1>}]} {
    %get3A = arith.constant 0 : index
    %get3A_0 = arith.constant 0 : index
    %get3A_1 = vector.load %arg2[%get3A, %get3A_0] : memref<32x6400xf32, #tpu.memory_space<vmem>>, vector<32x6400xf32>
    %get3A_2 = arith.constant 0 : index
    %get3A_3 = arith.constant 0 : index
    %get3A_4 = vector.load %arg3[%get3A_2, %get3A_3] : memref<128x6400xf32, #tpu.memory_space<vmem>>, vector<128x6400xf32>
    %dot_general3A = arith.constant dense<0.000000e+00> : vector<32x128xf32>
    %dot_general3A_5 = tpu.matmul %get3A_1, %get3A_4, %dot_general3A {dimension_numbers = #tpu.dot_dimension_numbers<[1], [1], [0], [0], [0, 0, 1, 0], [], []>, transpose_lhs_hint = false} : vector<32x6400xf32>, vector<128x6400xf32>, vector<32x128xf32> -> vector<32x128xf32>
    %broadcast_in_dim3A = arith.constant 1.000000e+00 : f32
    %broadcast_in_dim3A_6 = vector.broadcast %broadcast_in_dim3A : f32 to vector<6400x1xf32>
    %mul3A = arith.mulf %get3A_4, %get3A_4 : vector<128x6400xf32>
    %dot_general3A_7 = arith.constant dense<0.000000e+00> : vector<128x1xf32>
    %dot_general3A_8 = tpu.matmul %mul3A, %broadcast_in_dim3A_6, %dot_general3A_7 {dimension_numbers = #tpu.dot_dimension_numbers<[1], [0], [0], [1], [0, 0, 1, 1], [], []>, precision = #tpu.contract_precision<fp32>, transpose_lhs_hint = false} : vector<128x6400xf32>, vector<6400x1xf32>, vector<128x1xf32> -> vector<128x1xf32>
    %reshape3A = vector.shape_cast %dot_general3A_8 : vector<128x1xf32> to vector<1x128xf32>
    %mul3A_9 = arith.constant 2.000000e+00 : f32
    %mul3A_10 = vector.broadcast %mul3A_9 : f32 to vector<32x128xf32>
    %mul3A_11 = arith.mulf %mul3A_10, %dot_general3A_5 : vector<32x128xf32>
    %sub3A = vector.broadcast %reshape3A : vector<1x128xf32> to vector<32x128xf32>
    %sub3A_12 = arith.subf %sub3A, %mul3A_11 : vector<32x128xf32>
    %eq3A = arith.constant 0 : i32
    %eq3A_13 = arith.cmpi eq, %arg0, %eq3A : i32
    %convert_element_type3A = arith.extui %eq3A_13 : i1 to i32
    %cond3A = arith.constant 0 : i32
    %cond3A_14 = arith.cmpi ne, %convert_element_type3A, %cond3A : i32
    scf.if %cond3A_14 {
      %swap3A = arith.index_cast %arg1 : i32 to index
      %swap3A_31 = arith.constant 0 : index
      %swap3A_32 = arith.constant 0 : index
      %swap3A_33 = vector.load %arg6[%swap3A, %swap3A_31, %swap3A_32] : memref<8x32x128xf32, #tpu.memory_space<vmem>>, vector<1x32x128xf32>
      %swap3A_34 = vector.shape_cast %swap3A_33 : vector<1x32x128xf32> to vector<32x128xf32>
      %swap3A_35 = vector.shape_cast %sub3A_12 : vector<32x128xf32> to vector<1x32x128xf32>
      tpu.vector_store %arg6[%swap3A, %swap3A_31, %swap3A_32], %swap3A_35 {strides = array<i32>} : memref<8x32x128xf32, #tpu.memory_space<vmem>>, vector<1x32x128xf32>,
    } else {
    }
    %gt3A = arith.constant 0 : i32
    %gt3A_15 = arith.cmpi sgt, %arg0, %gt3A : i32
    %convert_element_type3A_16 = arith.extui %gt3A_15 : i1 to i32
    %cond3A_17 = arith.constant 0 : i32
    %cond3A_18 = arith.cmpi ne, %convert_element_type3A_16, %cond3A_17 : i32
    scf.if %cond3A_18 {
      %get3A_31 = arith.index_cast %arg1 : i32 to index
      %get3A_32 = arith.constant 0 : index
      %get3A_33 = arith.constant 0 : index
      %get3A_34 = vector.load %arg6[%get3A_31, %get3A_32, %get3A_33] : memref<8x32x128xf32, #tpu.memory_space<vmem>>, vector<1x32x128xf32>
      %get3A_35 = vector.shape_cast %get3A_34 : vector<1x32x128xf32> to vector<32x128xf32>
      %add3A = arith.addf %get3A_35, %sub3A_12 : vector<32x128xf32>
      %swap3A = arith.index_cast %arg1 : i32 to index
      %swap3A_36 = arith.constant 0 : index
      %swap3A_37 = arith.constant 0 : index
      %swap3A_38 = vector.load %arg6[%swap3A, %swap3A_36, %swap3A_37] : memref<8x32x128xf32, #tpu.memory_space<vmem>>, vector<1x32x128xf32>
      %swap3A_39 = vector.shape_cast %swap3A_38 : vector<1x32x128xf32> to vector<32x128xf32>
      %swap3A_40 = vector.shape_cast %add3A : vector<32x128xf32> to vector<1x32x128xf32>
      tpu.vector_store %arg6[%swap3A, %swap3A_36, %swap3A_37], %swap3A_40 {strides = array<i32>} : memref<8x32x128xf32, #tpu.memory_space<vmem>>, vector<1x32x128xf32>,
    } else {
    }
    %eq3A_19 = arith.constant 0 : i32
    %eq3A_20 = arith.cmpi eq, %arg1, %eq3A_19 : i32
    %convert_element_type3A_21 = arith.extui %eq3A_20 : i1 to i32
    %cond3A_22 = arith.constant 0 : i32
    %cond3A_23 = arith.cmpi ne, %convert_element_type3A_21, %cond3A_22 : i32
    scf.if %cond3A_23 {
      %mul3A_31 = arith.mulf %get3A_1, %get3A_1 : vector<32x6400xf32>
      %dot_general3A_32 = arith.constant dense<0.000000e+00> : vector<32x1xf32>
      %dot_general3A_33 = tpu.matmul %mul3A_31, %broadcast_in_dim3A_6, %dot_general3A_32 {dimension_numbers = #tpu.dot_dimension_numbers<[1], [0], [0], [1], [0, 0, 1, 1], [], []>, precision = #tpu.contract_precision<fp32>, transpose_lhs_hint = false} : vector<32x6400xf32>, vector<6400x1xf32>, vector<32x1xf32> -> vector<32x1xf32>
      %eq3A_34 = arith.constant 0 : i32
      %eq3A_35 = arith.cmpi eq, %arg0, %eq3A_34 : i32
      %convert_element_type3A_36 = arith.extui %eq3A_35 : i1 to i32
      %cond3A_37 = arith.constant 0 : i32
      %cond3A_38 = arith.cmpi ne, %convert_element_type3A_36, %cond3A_37 : i32
      scf.if %cond3A_38 {
        %swap3A = arith.constant 0 : index
        %swap3A_44 = arith.constant 0 : index
        %swap3A_45 = vector.load %arg7[%swap3A, %swap3A_44] : memref<32x1xf32, #tpu.memory_space<vmem>>, vector<32x1xf32>
        tpu.vector_store %arg7[%swap3A, %swap3A_44], %dot_general3A_33 {strides = array<i32>} : memref<32x1xf32, #tpu.memory_space<vmem>>, vector<32x1xf32>,
      } else {
      }
      %gt3A_39 = arith.constant 0 : i32
      %gt3A_40 = arith.cmpi sgt, %arg0, %gt3A_39 : i32
      %convert_element_type3A_41 = arith.extui %gt3A_40 : i1 to i32
      %cond3A_42 = arith.constant 0 : i32
      %cond3A_43 = arith.cmpi ne, %convert_element_type3A_41, %cond3A_42 : i32
      scf.if %cond3A_43 {
        %get3A_44 = arith.constant 0 : index
        %get3A_45 = arith.constant 0 : index
        %get3A_46 = vector.load %arg7[%get3A_44, %get3A_45] : memref<32x1xf32, #tpu.memory_space<vmem>>, vector<32x1xf32>
        %add3A = arith.addf %get3A_46, %dot_general3A_33 : vector<32x1xf32>
        %swap3A = arith.constant 0 : index
        %swap3A_47 = arith.constant 0 : index
        %swap3A_48 = vector.load %arg7[%swap3A, %swap3A_47] : memref<32x1xf32, #tpu.memory_space<vmem>>, vector<32x1xf32>
        tpu.vector_store %arg7[%swap3A, %swap3A_47], %add3A {strides = array<i32>} : memref<32x1xf32, #tpu.memory_space<vmem>>, vector<32x1xf32>,
      } else {
      }
    } else {
    }
    %eq3A_24 = arith.constant 4 : i32
    %eq3A_25 = arith.cmpi eq, %arg0, %eq3A_24 : i32
    %eq3A_26 = arith.constant 7 : i32
    %eq3A_27 = arith.cmpi eq, %arg1, %eq3A_26 : i32
    %and3A = arith.andi %eq3A_25, %eq3A_27 : i1
    %convert_element_type3A_28 = arith.extui %and3A : i1 to i32
    %cond3A_29 = arith.constant 0 : i32
    %cond3A_30 = arith.cmpi ne, %convert_element_type3A_28, %cond3A_29 : i32
    scf.if %cond3A_30 {
      %get3A_31 = arith.constant 0 : index
      %get3A_32 = arith.constant 0 : index
      %get3A_33 = arith.constant 0 : index
      %get3A_34 = vector.load %arg6[%get3A_31, %get3A_32, %get3A_33] : memref<8x32x128xf32, #tpu.memory_space<vmem>>, vector<1x32x128xf32>
      %get3A_35 = vector.shape_cast %get3A_34 : vector<1x32x128xf32> to vector<32x128xf32>
      %reduce_min3A = arith.constant dense<0x7F800000> : vector<32xf32>
      %reduce_min3A_36 = vector.multi_reduction <minimumf>, %get3A_35, %reduce_min3A [1] : vector<32x128xf32> to vector<32xf32>
      %broadcast_in_dim3A_37 = vector.shape_cast %reduce_min3A_36 : vector<32xf32> to vector<32x1xf32>
      %iota3A = tpu.iota {dimensions = array<i32: 1>} : vector<32x128xi32>
      %eq3A_38 = vector.broadcast %broadcast_in_dim3A_37 : vector<32x1xf32> to vector<32x128xf32>
      %eq3A_39 = arith.cmpf oeq, %get3A_35, %eq3A_38 : vector<32x128xf32>
      %jit3A = arith.constant 1024 : i32
      %broadcast_in_dim3A_40 = vector.broadcast %jit3A : i32 to vector<32x128xi32>
      %select_n3A = arith.select %eq3A_39, %iota3A, %broadcast_in_dim3A_40 : vector<32x128xi1>, vector<32x128xi32>
      %reduce_min3A_41 = arith.constant dense<2147483647> : vector<32xi32>
      %reduce_min3A_42 = vector.multi_reduction <minsi>, %select_n3A, %reduce_min3A_41 [1] : vector<32x128xi32> to vector<32xi32>
      %broadcast_in_dim3A_43 = vector.shape_cast %reduce_min3A_42 : vector<32xi32> to vector<32x1xi32>
      %add3A = arith.constant 0 : i32
      %add3A_44 = vector.broadcast %add3A : i32 to vector<32x1xi32>
      %add3A_45 = arith.addi %broadcast_in_dim3A_43, %add3A_44 : vector<32x1xi32>
      %get3A_46 = arith.constant 1 : index
      %get3A_47 = arith.constant 0 : index
      %get3A_48 = arith.constant 0 : index
      %get3A_49 = vector.load %arg6[%get3A_46, %get3A_47, %get3A_48] : memref<8x32x128xf32, #tpu.memory_space<vmem>>, vector<1x32x128xf32>
      %get3A_50 = vector.shape_cast %get3A_49 : vector<1x32x128xf32> to vector<32x128xf32>
      %reduce_min3A_51 = arith.constant dense<0x7F800000> : vector<32xf32>
      %reduce_min3A_52 = vector.multi_reduction <minimumf>, %get3A_50, %reduce_min3A_51 [1] : vector<32x128xf32> to vector<32xf32>
      %broadcast_in_dim3A_53 = vector.shape_cast %reduce_min3A_52 : vector<32xf32> to vector<32x1xf32>
      %iota3A_54 = tpu.iota {dimensions = array<i32: 1>} : vector<32x128xi32>
      %eq3A_55 = vector.broadcast %broadcast_in_dim3A_53 : vector<32x1xf32> to vector<32x128xf32>
      %eq3A_56 = arith.cmpf oeq, %get3A_50, %eq3A_55 : vector<32x128xf32>
      %jit3A_57 = arith.constant 1024 : i32
      %broadcast_in_dim3A_58 = vector.broadcast %jit3A_57 : i32 to vector<32x128xi32>
      %select_n3A_59 = arith.select %eq3A_56, %iota3A_54, %broadcast_in_dim3A_58 : vector<32x128xi1>, vector<32x128xi32>
      %reduce_min3A_60 = arith.constant dense<2147483647> : vector<32xi32>
      %reduce_min3A_61 = vector.multi_reduction <minsi>, %select_n3A_59, %reduce_min3A_60 [1] : vector<32x128xi32> to vector<32xi32>
      %broadcast_in_dim3A_62 = vector.shape_cast %reduce_min3A_61 : vector<32xi32> to vector<32x1xi32>
      %add3A_63 = arith.constant 128 : i32
      %add3A_64 = vector.broadcast %add3A_63 : i32 to vector<32x1xi32>
      %add3A_65 = arith.addi %broadcast_in_dim3A_62, %add3A_64 : vector<32x1xi32>
      %lt3A = arith.cmpf olt, %broadcast_in_dim3A_53, %broadcast_in_dim3A_37 : vector<32x1xf32>
      %select_n3A_66 = arith.select %lt3A, %add3A_65, %add3A_45 : vector<32x1xi1>, vector<32x1xi32>
      %select_n3A_67 = arith.select %lt3A, %broadcast_in_dim3A_53, %broadcast_in_dim3A_37 : vector<32x1xi1>, vector<32x1xf32>
      %get3A_68 = arith.constant 2 : index
      %get3A_69 = arith.constant 0 : index
      %get3A_70 = arith.constant 0 : index
      %get3A_71 = vector.load %arg6[%get3A_68, %get3A_69, %get3A_70] : memref<8x32x128xf32, #tpu.memory_space<vmem>>, vector<1x32x128xf32>
      %get3A_72 = vector.shape_cast %get3A_71 : vector<1x32x128xf32> to vector<32x128xf32>
      %reduce_min3A_73 = arith.constant dense<0x7F800000> : vector<32xf32>
      %reduce_min3A_74 = vector.multi_reduction <minimumf>, %get3A_72, %reduce_min3A_73 [1] : vector<32x128xf32> to vector<32xf32>
      %broadcast_in_dim3A_75 = vector.shape_cast %reduce_min3A_74 : vector<32xf32> to vector<32x1xf32>
      %iota3A_76 = tpu.iota {dimensions = array<i32: 1>} : vector<32x128xi32>
      %eq3A_77 = vector.broadcast %broadcast_in_dim3A_75 : vector<32x1xf32> to vector<32x128xf32>
      %eq3A_78 = arith.cmpf oeq, %get3A_72, %eq3A_77 : vector<32x128xf32>
      %jit3A_79 = arith.constant 1024 : i32
      %broadcast_in_dim3A_80 = vector.broadcast %jit3A_79 : i32 to vector<32x128xi32>
      %select_n3A_81 = arith.select %eq3A_78, %iota3A_76, %broadcast_in_dim3A_80 : vector<32x128xi1>, vector<32x128xi32>
      %reduce_min3A_82 = arith.constant dense<2147483647> : vector<32xi32>
      %reduce_min3A_83 = vector.multi_reduction <minsi>, %select_n3A_81, %reduce_min3A_82 [1] : vector<32x128xi32> to vector<32xi32>
      %broadcast_in_dim3A_84 = vector.shape_cast %reduce_min3A_83 : vector<32xi32> to vector<32x1xi32>
      %add3A_85 = arith.constant 256 : i32
      %add3A_86 = vector.broadcast %add3A_85 : i32 to vector<32x1xi32>
      %add3A_87 = arith.addi %broadcast_in_dim3A_84, %add3A_86 : vector<32x1xi32>
      %lt3A_88 = arith.cmpf olt, %broadcast_in_dim3A_75, %select_n3A_67 : vector<32x1xf32>
      %select_n3A_89 = arith.select %lt3A_88, %add3A_87, %select_n3A_66 : vector<32x1xi1>, vector<32x1xi32>
      %select_n3A_90 = arith.select %lt3A_88, %broadcast_in_dim3A_75, %select_n3A_67 : vector<32x1xi1>, vector<32x1xf32>
      %get3A_91 = arith.constant 3 : index
      %get3A_92 = arith.constant 0 : index
      %get3A_93 = arith.constant 0 : index
      %get3A_94 = vector.load %arg6[%get3A_91, %get3A_92, %get3A_93] : memref<8x32x128xf32, #tpu.memory_space<vmem>>, vector<1x32x128xf32>
      %get3A_95 = vector.shape_cast %get3A_94 : vector<1x32x128xf32> to vector<32x128xf32>
      %reduce_min3A_96 = arith.constant dense<0x7F800000> : vector<32xf32>
      %reduce_min3A_97 = vector.multi_reduction <minimumf>, %get3A_95, %reduce_min3A_96 [1] : vector<32x128xf32> to vector<32xf32>
      %broadcast_in_dim3A_98 = vector.shape_cast %reduce_min3A_97 : vector<32xf32> to vector<32x1xf32>
      %iota3A_99 = tpu.iota {dimensions = array<i32: 1>} : vector<32x128xi32>
      %eq3A_100 = vector.broadcast %broadcast_in_dim3A_98 : vector<32x1xf32> to vector<32x128xf32>
      %eq3A_101 = arith.cmpf oeq, %get3A_95, %eq3A_100 : vector<32x128xf32>
      %jit3A_102 = arith.constant 1024 : i32
      %broadcast_in_dim3A_103 = vector.broadcast %jit3A_102 : i32 to vector<32x128xi32>
      %select_n3A_104 = arith.select %eq3A_101, %iota3A_99, %broadcast_in_dim3A_103 : vector<32x128xi1>, vector<32x128xi32>
      %reduce_min3A_105 = arith.constant dense<2147483647> : vector<32xi32>
      %reduce_min3A_106 = vector.multi_reduction <minsi>, %select_n3A_104, %reduce_min3A_105 [1] : vector<32x128xi32> to vector<32xi32>
      %broadcast_in_dim3A_107 = vector.shape_cast %reduce_min3A_106 : vector<32xi32> to vector<32x1xi32>
      %add3A_108 = arith.constant 384 : i32
      %add3A_109 = vector.broadcast %add3A_108 : i32 to vector<32x1xi32>
      %add3A_110 = arith.addi %broadcast_in_dim3A_107, %add3A_109 : vector<32x1xi32>
      %lt3A_111 = arith.cmpf olt, %broadcast_in_dim3A_98, %select_n3A_90 : vector<32x1xf32>
      %select_n3A_112 = arith.select %lt3A_111, %add3A_110, %select_n3A_89 : vector<32x1xi1>, vector<32x1xi32>
      %select_n3A_113 = arith.select %lt3A_111, %broadcast_in_dim3A_98, %select_n3A_90 : vector<32x1xi1>, vector<32x1xf32>
      %get3A_114 = arith.constant 4 : index
      %get3A_115 = arith.constant 0 : index
      %get3A_116 = arith.constant 0 : index
      %get3A_117 = vector.load %arg6[%get3A_114, %get3A_115, %get3A_116] : memref<8x32x128xf32, #tpu.memory_space<vmem>>, vector<1x32x128xf32>
      %get3A_118 = vector.shape_cast %get3A_117 : vector<1x32x128xf32> to vector<32x128xf32>
      %reduce_min3A_119 = arith.constant dense<0x7F800000> : vector<32xf32>
      %reduce_min3A_120 = vector.multi_reduction <minimumf>, %get3A_118, %reduce_min3A_119 [1] : vector<32x128xf32> to vector<32xf32>
      %broadcast_in_dim3A_121 = vector.shape_cast %reduce_min3A_120 : vector<32xf32> to vector<32x1xf32>
      %iota3A_122 = tpu.iota {dimensions = array<i32: 1>} : vector<32x128xi32>
      %eq3A_123 = vector.broadcast %broadcast_in_dim3A_121 : vector<32x1xf32> to vector<32x128xf32>
      %eq3A_124 = arith.cmpf oeq, %get3A_118, %eq3A_123 : vector<32x128xf32>
      %jit3A_125 = arith.constant 1024 : i32
      %broadcast_in_dim3A_126 = vector.broadcast %jit3A_125 : i32 to vector<32x128xi32>
      %select_n3A_127 = arith.select %eq3A_124, %iota3A_122, %broadcast_in_dim3A_126 : vector<32x128xi1>, vector<32x128xi32>
      %reduce_min3A_128 = arith.constant dense<2147483647> : vector<32xi32>
      %reduce_min3A_129 = vector.multi_reduction <minsi>, %select_n3A_127, %reduce_min3A_128 [1] : vector<32x128xi32> to vector<32xi32>
      %broadcast_in_dim3A_130 = vector.shape_cast %reduce_min3A_129 : vector<32xi32> to vector<32x1xi32>
      %add3A_131 = arith.constant 512 : i32
      %add3A_132 = vector.broadcast %add3A_131 : i32 to vector<32x1xi32>
      %add3A_133 = arith.addi %broadcast_in_dim3A_130, %add3A_132 : vector<32x1xi32>
      %lt3A_134 = arith.cmpf olt, %broadcast_in_dim3A_121, %select_n3A_113 : vector<32x1xf32>
      %select_n3A_135 = arith.select %lt3A_134, %add3A_133, %select_n3A_112 : vector<32x1xi1>, vector<32x1xi32>
      %select_n3A_136 = arith.select %lt3A_134, %broadcast_in_dim3A_121, %select_n3A_113 : vector<32x1xi1>, vector<32x1xf32>
      %get3A_137 = arith.constant 5 : index
      %get3A_138 = arith.constant 0 : index
      %get3A_139 = arith.constant 0 : index
      %get3A_140 = vector.load %arg6[%get3A_137, %get3A_138, %get3A_139] : memref<8x32x128xf32, #tpu.memory_space<vmem>>, vector<1x32x128xf32>
      %get3A_141 = vector.shape_cast %get3A_140 : vector<1x32x128xf32> to vector<32x128xf32>
      %reduce_min3A_142 = arith.constant dense<0x7F800000> : vector<32xf32>
      %reduce_min3A_143 = vector.multi_reduction <minimumf>, %get3A_141, %reduce_min3A_142 [1] : vector<32x128xf32> to vector<32xf32>
      %broadcast_in_dim3A_144 = vector.shape_cast %reduce_min3A_143 : vector<32xf32> to vector<32x1xf32>
      %iota3A_145 = tpu.iota {dimensions = array<i32: 1>} : vector<32x128xi32>
      %eq3A_146 = vector.broadcast %broadcast_in_dim3A_144 : vector<32x1xf32> to vector<32x128xf32>
      %eq3A_147 = arith.cmpf oeq, %get3A_141, %eq3A_146 : vector<32x128xf32>
      %jit3A_148 = arith.constant 1024 : i32
      %broadcast_in_dim3A_149 = vector.broadcast %jit3A_148 : i32 to vector<32x128xi32>
      %select_n3A_150 = arith.select %eq3A_147, %iota3A_145, %broadcast_in_dim3A_149 : vector<32x128xi1>, vector<32x128xi32>
      %reduce_min3A_151 = arith.constant dense<2147483647> : vector<32xi32>
      %reduce_min3A_152 = vector.multi_reduction <minsi>, %select_n3A_150, %reduce_min3A_151 [1] : vector<32x128xi32> to vector<32xi32>
      %broadcast_in_dim3A_153 = vector.shape_cast %reduce_min3A_152 : vector<32xi32> to vector<32x1xi32>
      %add3A_154 = arith.constant 640 : i32
      %add3A_155 = vector.broadcast %add3A_154 : i32 to vector<32x1xi32>
      %add3A_156 = arith.addi %broadcast_in_dim3A_153, %add3A_155 : vector<32x1xi32>
      %lt3A_157 = arith.cmpf olt, %broadcast_in_dim3A_144, %select_n3A_136 : vector<32x1xf32>
      %select_n3A_158 = arith.select %lt3A_157, %add3A_156, %select_n3A_135 : vector<32x1xi1>, vector<32x1xi32>
      %select_n3A_159 = arith.select %lt3A_157, %broadcast_in_dim3A_144, %select_n3A_136 : vector<32x1xi1>, vector<32x1xf32>
      %get3A_160 = arith.constant 6 : index
      %get3A_161 = arith.constant 0 : index
      %get3A_162 = arith.constant 0 : index
      %get3A_163 = vector.load %arg6[%get3A_160, %get3A_161, %get3A_162] : memref<8x32x128xf32, #tpu.memory_space<vmem>>, vector<1x32x128xf32>
      %get3A_164 = vector.shape_cast %get3A_163 : vector<1x32x128xf32> to vector<32x128xf32>
      %reduce_min3A_165 = arith.constant dense<0x7F800000> : vector<32xf32>
      %reduce_min3A_166 = vector.multi_reduction <minimumf>, %get3A_164, %reduce_min3A_165 [1] : vector<32x128xf32> to vector<32xf32>
      %broadcast_in_dim3A_167 = vector.shape_cast %reduce_min3A_166 : vector<32xf32> to vector<32x1xf32>
      %iota3A_168 = tpu.iota {dimensions = array<i32: 1>} : vector<32x128xi32>
      %eq3A_169 = vector.broadcast %broadcast_in_dim3A_167 : vector<32x1xf32> to vector<32x128xf32>
      %eq3A_170 = arith.cmpf oeq, %get3A_164, %eq3A_169 : vector<32x128xf32>
      %jit3A_171 = arith.constant 1024 : i32
      %broadcast_in_dim3A_172 = vector.broadcast %jit3A_171 : i32 to vector<32x128xi32>
      %select_n3A_173 = arith.select %eq3A_170, %iota3A_168, %broadcast_in_dim3A_172 : vector<32x128xi1>, vector<32x128xi32>
      %reduce_min3A_174 = arith.constant dense<2147483647> : vector<32xi32>
      %reduce_min3A_175 = vector.multi_reduction <minsi>, %select_n3A_173, %reduce_min3A_174 [1] : vector<32x128xi32> to vector<32xi32>
      %broadcast_in_dim3A_176 = vector.shape_cast %reduce_min3A_175 : vector<32xi32> to vector<32x1xi32>
      %add3A_177 = arith.constant 768 : i32
      %add3A_178 = vector.broadcast %add3A_177 : i32 to vector<32x1xi32>
      %add3A_179 = arith.addi %broadcast_in_dim3A_176, %add3A_178 : vector<32x1xi32>
      %lt3A_180 = arith.cmpf olt, %broadcast_in_dim3A_167, %select_n3A_159 : vector<32x1xf32>
      %select_n3A_181 = arith.select %lt3A_180, %add3A_179, %select_n3A_158 : vector<32x1xi1>, vector<32x1xi32>
      %select_n3A_182 = arith.select %lt3A_180, %broadcast_in_dim3A_167, %select_n3A_159 : vector<32x1xi1>, vector<32x1xf32>
      %get3A_183 = arith.constant 7 : index
      %get3A_184 = arith.constant 0 : index
      %get3A_185 = arith.constant 0 : index
      %get3A_186 = vector.load %arg6[%get3A_183, %get3A_184, %get3A_185] : memref<8x32x128xf32, #tpu.memory_space<vmem>>, vector<1x32x128xf32>
      %get3A_187 = vector.shape_cast %get3A_186 : vector<1x32x128xf32> to vector<32x128xf32>
      %reduce_min3A_188 = arith.constant dense<0x7F800000> : vector<32xf32>
      %reduce_min3A_189 = vector.multi_reduction <minimumf>, %get3A_187, %reduce_min3A_188 [1] : vector<32x128xf32> to vector<32xf32>
      %broadcast_in_dim3A_190 = vector.shape_cast %reduce_min3A_189 : vector<32xf32> to vector<32x1xf32>
      %iota3A_191 = tpu.iota {dimensions = array<i32: 1>} : vector<32x128xi32>
      %eq3A_192 = vector.broadcast %broadcast_in_dim3A_190 : vector<32x1xf32> to vector<32x128xf32>
      %eq3A_193 = arith.cmpf oeq, %get3A_187, %eq3A_192 : vector<32x128xf32>
      %jit3A_194 = arith.constant 1024 : i32
      %broadcast_in_dim3A_195 = vector.broadcast %jit3A_194 : i32 to vector<32x128xi32>
      %select_n3A_196 = arith.select %eq3A_193, %iota3A_191, %broadcast_in_dim3A_195 : vector<32x128xi1>, vector<32x128xi32>
      %reduce_min3A_197 = arith.constant dense<2147483647> : vector<32xi32>
      %reduce_min3A_198 = vector.multi_reduction <minsi>, %select_n3A_196, %reduce_min3A_197 [1] : vector<32x128xi32> to vector<32xi32>
      %broadcast_in_dim3A_199 = vector.shape_cast %reduce_min3A_198 : vector<32xi32> to vector<32x1xi32>
      %add3A_200 = arith.constant 896 : i32
      %add3A_201 = vector.broadcast %add3A_200 : i32 to vector<32x1xi32>
      %add3A_202 = arith.addi %broadcast_in_dim3A_199, %add3A_201 : vector<32x1xi32>
      %lt3A_203 = arith.cmpf olt, %broadcast_in_dim3A_190, %select_n3A_182 : vector<32x1xf32>
      %select_n3A_204 = arith.select %lt3A_203, %add3A_202, %select_n3A_181 : vector<32x1xi1>, vector<32x1xi32>
      %select_n3A_205 = arith.select %lt3A_203, %broadcast_in_dim3A_190, %select_n3A_182 : vector<32x1xi1>, vector<32x1xf32>
      %swap3A = arith.constant 0 : index
      %swap3A_206 = arith.constant 0 : index
      %swap3A_207 = vector.load %arg5[%swap3A, %swap3A_206] : memref<32x1xi32, #tpu.memory_space<vmem>>, vector<32x1xi32>
      tpu.vector_store %arg5[%swap3A, %swap3A_206], %select_n3A_204 {strides = array<i32>} : memref<32x1xi32, #tpu.memory_space<vmem>>, vector<32x1xi32>,
      %get3A_208 = arith.constant 0 : index
      %get3A_209 = arith.constant 0 : index
      %get3A_210 = vector.load %arg7[%get3A_208, %get3A_209] : memref<32x1xf32, #tpu.memory_space<vmem>>, vector<32x1xf32>
      %add3A_211 = arith.addf %get3A_210, %select_n3A_205 : vector<32x1xf32>
      %max3A = arith.constant 0.000000e+00 : f32
      %max3A_212 = vector.broadcast %max3A : f32 to vector<32x1xf32>
      %max3A_213 = arith.maximumf %add3A_211, %max3A_212 : vector<32x1xf32>
      %sqrt3A = math.sqrt %max3A_213 : vector<32x1xf32>
      %swap3A_214 = arith.constant 0 : index
      %swap3A_215 = arith.constant 0 : index
      %swap3A_216 = vector.load %arg4[%swap3A_214, %swap3A_215] : memref<32x1xf32, #tpu.memory_space<vmem>>, vector<32x1xf32>
      tpu.vector_store %arg4[%swap3A_214, %swap3A_215], %sqrt3A {strides = array<i32>} : memref<32x1xf32, #tpu.memory_space<vmem>>, vector<32x1xf32>,
    } else {
    }
    return
  }
  func.func @transform_0(%arg0: i32, %arg1: i32) -> (i32, i32) {
    %c0_i32 = arith.constant 0 : i32
    %c0_i32_0 = arith.constant 0 : i32
    return %c0_i32, %arg0 : i32, i32
  }
  func.func @transform_1(%arg0: i32, %arg1: i32) -> (i32, i32) {
    %c0_i32 = arith.constant 0 : i32
    return %arg1, %arg0 : i32, i32
  }
  func.func @transform_2(%arg0: i32, %arg1: i32) -> (i32, i32) {
    %c0_i32 = arith.constant 0 : i32
    %c0_i32_0 = arith.constant 0 : i32
    %c0_i32_1 = arith.constant 0 : i32
    return %c0_i32, %c0_i32_0 : i32, i32
  }
  func.func @transform_3(%arg0: i32, %arg1: i32) -> (i32, i32) {
    %c0_i32 = arith.constant 0 : i32
    %c0_i32_0 = arith.constant 0 : i32
    %c0_i32_1 = arith.constant 0 : i32
    return %c0_i32, %c0_i32_0 : i32, i32
  }
}

</mosaic_0001>

<sc_bundles>
// kernel: kernel.4.cloned.1.call-start
scs
__scs_entry_jumppad:
0x0: {  	(pc) =	sbr.rel $0x88, $3  }
0x1: {  	(tag) =	ssettag $0x0;
	lr =	simm.s32 $0x1  }
0x2: {  	[smem:$0x3F9F] =	sst lr;
	_ =	strace $0xD0000000  }
0x3: {  	_ = 	snop  }
0x4: {  	_ = 	snop  }
0x5: {  	_ = 	snop  }
0x6: {  	_ = 	snop  }
0x7: {  	_ = 	snop  }
__scs_overlays_trampoline_lowered:
0x8: {  	[smem:$0x3FAE] =	sst s0  }
0x9: {  	[smem:$0x3FAF] =	sst s1  }
0xa: {  	[smem:$0x3FB0] =	sst s2  }
0xb: {  	[smem:$0x3FB1] =	sst s3  }
0xc: {  	[smem:$0x3FB2] =	sst s4  }
0xd: {  	[smem:$0x3FB3] =	sst s5  }
0xe: {  	[smem:$0x3FB4] =	sst s6  }
0xf: {  	[smem:$0x3FB5] =	sst s7  }
0x10: {  	[smem:$0x3FB6] =	sst s8  }
0x11: {  	[smem:$0x3FB7] =	sst s9;
	s0 =	simm.s32 @!p0 $0x0  }
0x12: {  	s1 =	sld [smem:$0x3F9D];
	s0 =	simm.s32 @p0 $0x1  }
0x13: {  	[smem:$0x3FB8] =	sst s0;
	s0 =	simm.s32 @!p1 $0x0  }
0x14: {  	s2 =	sld [smem:$0x3F9C];
	s0 =	simm.s32 @p1 $0x1  }
0x15: {  	[smem:$0x3FB9] =	sst s0;
	s0 =	simm.s32 @!p2 $0x0  }
0x16: {  	s3 =	sld [smem:$0x3FDB];
	s0 =	simm.s32 @p2 $0x1  }
0x17: {  	s4 =	simm.s32 $0x1BF5;
	[smem:$0x3FBB] =	sst s0  }
0x18: {  	s0 =	sld [smem:$0x3F9E];
	_ =	swait.ge [sflag:s4], $0x0  }
0x19: {  	s7 =	sld [smem:$0x3F9F]  }
0x1a: {  	s8 =	sadd.s32 $0xFFFFE003, lr  }
0x1b: {  	s9 =	sadd.s32 $0xFFFFFEF7, lr;
	s5 =	simm.s32 $0xFFFFFFFF;
	p2 =	slt.u32 s8, $0xFFFFF086  }
0x1c: {  	p1 =	slt.u32 s9, $0xF7A;
	s5 =	simm.s32 @!p2 $0x0  }
0x1d: {  	s5 =	simm.s32 @p1 $0x1;
	p0 =	seq.s32 s7, s2  }
0x1e: {  	s7 =	smul.u32 @!p0 $0xF7A, s2;
	p2 =	seq.s32 @!p0 s5, $0x0  }
0x1f: {  	s9 =	smul.u32 $0xF7A, s1;
	s8 =	simm.s32 @!p0 $0x1BF5;
	p2 =	por !p2, p0  }
0x20: {  	[sflag:s8] =	ssyncset.s32 @!p0 $0xFFFFF086;
	s6 =	sadd.s32 @!p0 s3, s7;
	s7 =	simm.s32 @!p0 $0x108  }
0x21: {  	s3 =	sadd.s32 s3, s9;
	s6 =	sadd.s32 @!p0 $0x88, s6;
	s7 =	simm.s32 @p2 $0x1082  }
0x22: {  	[simem:s7], [sflag:s8] =	dma.local @!p0 [hbm:s6], $0xF7A  }
0x23: {  	s9 =	sor.u32 $0xD0000000, s2;
	s6 =	simm.s32 $0x108;
	_ =	swait.ge @!p0 [sflag:s8], $0x0  }
0x24: {  	s3 =	sadd.s32 $0x88, s3;
	s6 =	simm.s32 @!p1 $0x1082;
	[sflag:s4] =	ssyncset.s32 $0xFFFFF086  }
0x25: {  	[simem:s6], [sflag:s4] =	dma.local [hbm:s3], $0xF7A  }
0x26: {  	[smem:$0x3F9F] =	sst s1;
	(tag) =	ssettag s2;
	_ =	strace s9  }
0x27: {  	s1 =	sld [smem:$0x3FAF]  }
0x28: {  	s2 =	sld [smem:$0x3FB0]  }
0x29: {  	s4 =	sld [smem:$0x3FB2]  }
0x2a: {  	p0 =	seq.s32 s5, $0x0;
	s5 =	sld [smem:$0x3FB3]  }
0x2b: {  	s6 =	sld [smem:$0x3FB4]  }
0x2c: {  	s7 =	sld [smem:$0x3FB5]  }
0x2d: {  	s3 =	simm.s32 $0x108;
	s8 =	sld [smem:$0x3FB6]  }
0x2e: {  	s3 =	simm.s32 @!p0 $0x1082;
	s9 =	sld [smem:$0x3FB7]  }
0x2f: {  	lr =	sadd.s32 s0, s3;
	s0 =	sld [smem:$0x3FAE]  }
0x30: {  	s3 =	sld [smem:$0x3FB1]  }
0x31: {  	[smem:$0x3FBA] =	sst s10  }
0x32: {  	s10 =	sld [smem:$0x3FB8];
	_ =	sdelay $0x3  }
0x33: {  	p0 =	seq.s32 s10, $0x1;
	s10 =	sld [smem:$0x3FBA];
	_ =	sdelay $0x3  }
0x34: {  	[smem:$0x3FBA] =	sst s10  }
0x35: {  	s10 =	sld [smem:$0x3FB9];
	_ =	sdelay $0x3  }
0x36: {  	p1 =	seq.s32 s10, $0x1;
	s10 =	sld [smem:$0x3FBA];
	_ =	sdelay $0x3  }
0x37: {  	[smem:$0x3FBA] =	sst s10  }
0x38: {  	s10 =	sld [smem:$0x3FBB]  }
0x39: {  	_ = 	snop;
	(pc) =	sbr.ind lr, $3  }
0x3a: {  	_ = 	snop  }
0x3b: {  	_ = 	snop  }
0x3c: {  	p2 =	seq.s32 s10, $0x1;
	s10 =	sld [smem:$0x3FBA]  }
0x3d: {  	_ =	shalt  }
0x3e: {  	_ =	shalt  }
0x3f: {  	_ =	shalt  }
0x40: {  	_ =	shalt  }
0x41: {  	_ =	shalt  }
0x42: {  	_ =	shalt  }
0x43: {  	_ =	shalt  }
0x44: {  	_ =	shalt  }
0x45: {  	_ =	shalt  }
0x46: {  	_ =	shalt  }
0x47: {  	_ =	shalt  }
0x48: {  	_ =	shalt  }
0x49: {  	_ =	shalt  }
0x4a: {  	_ =	shalt  }
0x4b: {  	_ =	shalt  }
0x4c: {  	_ =	shalt  }
0x4d: {  	_ =	shalt  }
0x4e: {  	_ =	shalt  }
0x4f: {  	_ =	shalt  }
0x50: {  	_ =	shalt  }
0x51: {  	_ =	shalt  }
0x52: {  	_ =	shalt  }
0x53: {  	_ =	shalt  }
0x54: {  	_ =	shalt  }
0x55: {  	_ =	shalt  }
0x56: {  	_ =	shalt  }
0x57: {  	_ =	shalt  }
0x58: {  	_ =	shalt  }
0x59: {  	_ =	shalt  }
0x5a: {  	_ =	shalt  }
0x5b: {  	_ =	shalt  }
0x5c: {  	_ =	shalt  }
0x5d: {  	_ =	shalt  }
0x5e: {  	_ =	shalt  }
0x5f: {  	_ =	shalt  }
0x60: {  	_ =	shalt  }
0x61: {  	_ =	shalt  }
0x62: {  	_ =	shalt  }
0x63: {  	_ =	shalt  }
0x64: {  	_ =	shalt  }
0x65: {  	_ =	shalt  }
0x66: {  	_ =	shalt  }
0x67: {  	_ =	shalt  }
0x68: {  	_ =	shalt  }
0x69: {  	_ =	shalt  }
0x6a: {  	_ =	shalt  }
0x6b: {  	_ =	shalt  }
0x6c: {  	_ =	shalt  }
0x6d: {  	_ =	shalt  }
0x6e: {  	_ =	shalt  }
0x6f: {  	_ =	shalt  }
0x70: {  	_ =	shalt  }
0x71: {  	_ =	shalt  }
0x72: {  	_ =	shalt  }
0x73: {  	_ =	shalt  }
0x74: {  	_ =	shalt  }
0x75: {  	_ =	shalt  }
0x76: {  	_ =	shalt  }
0x77: {  	_ =	shalt  }
0x78: {  	_ =	shalt  }
0x79: {  	_ =	shalt  }
0x7a: {  	_ =	shalt  }
0x7b: {  	_ =	shalt  }
0x7c: {  	_ =	shalt  }
0x7d: {  	_ =	shalt  }
0x7e: {  	_ =	shalt  }
0x7f: {  	_ =	shalt  }
0x80: {  	_ =	shalt  }
0x81: {  	_ =	shalt  }
0x82: {  	_ =	shalt  }
0x83: {  	_ =	shalt  }
0x84: {  	_ =	shalt  }
0x85: {  	_ =	shalt  }
0x86: {  	_ =	shalt  }
0x87: {  	_ =	shalt  }
.Lfunc_end0:
.L_simem_size_0:
called_computation_lowered:
.L_overlay_start_0:
0x88: {  	s2 =	sld [smem:$0x3FD9]  }
0x89: {  	s3 =	sld [smem:$0x3FFE];
	_ =	sdelay $0x1  }
0x8a: {  	s1 =	srdreg.scid  }
0x8b: {  	s0 =	sand.u32 $0x1, s1  }
0x8c: {  	s14 =	sshll.u32 s0, $0xA;
	s2 =	sadd.s32 s3, s2  }
0x8d: {  	s2 =	sadd.s32 s2, s14  }
0x8e: {  	[smem:$0x3FC6] =	sst s2  }
0x8f: {  	_ = 	snop  }
0x90: {  	s2 =	sld [smem:$0x3FD0];
	_ =	sdelay $0x2  }
0x91: {  	s15 =	simm.s32 $0xA;
	s4 =	simm.s32 $0x10  }
0x92: {  	[smem:s4], [sflag:s15] =	dma.local [hbm:s2], $0x1  }
0x93: {  	_ =	swait.eq [sflag:s15], $0x1  }
0x94: {  	[sflag:s15] =	ssyncset.done $0x0  }
0x95: {  	[sflag:s15] =	ssyncadd.s32 $0xFFFFFFFF  }
0x96: {  	s16 =	sld [smem:$0x10];
	(tm) =	ssettm $0x1  }
0x97: {  	s17 =	sld [smem:$0x3FFB];
	_ =	sdelay $0x3  }
0x98: {  	_ =	strace s17  }
0x99: {  	s3 =	sld [smem:$0x3FFC];
	_ =	sdelay $0x3  }
0x9a: {  	_ =	strace s3  }
0x9b: {  	s3 =	sld [smem:$0x3FFD];
	_ =	sdelay $0x3  }
0x9c: {  	_ =	strace s3  }
0x9d: {  	_ =	strace $0x8FFFFFFF  }
0x9e: {  	s18 =	sld [smem:$0x3FDB];
	_ =	sdelay $0x1  }
0x9f: {  	s19 =	simm.s32 $_scs_section_size  }
0xa0: {  	s5 =	simm.s32 $_size__tile_overlayer_lowered;
	s6 =	simm.s32 $_tile_overlayer_lowered  }
0xa1: {  	s22 =	simm.s32 $0x1BFF;
	s21 =	sshll.u32 s6, $0x1;
	s3 =	sadd.s32 s19, s18  }
0xa2: {  	s7 =	simm.s32 $0x0;
	s20 =	sshll.u32 s5, $0x1;
	s5 =	sadd.s32 s21, s3  }
0xa3: {  	[timem:s7], [sflag:s22] =	dma.local [hbm:s5], s20  }
0xa4: {  	_ =	swait.ge [sflag:s22], s20  }
0xa5: {  	s4 =	ssub.s32 $0x0, s20;
	[sflag:s22] =	ssyncset.done $0x0  }
0xa6: {  	[sflag:s22] =	ssyncadd.s32 s4;
	_ =	sdelay $0x1  }
0xa7: {  	s23 =	simm.s32 $0x1B8B  }
0xa8: {  	_ =	swait.ge [sflag:s23], $0x1  }
0xa9: {  	[sflag:s23] =	ssyncset.done $0x0  }
0xaa: {  	s25 =	simm.s32 $0x1B8E;
	s24 =	sld [smem:$0x3FFE];
	[sflag:s23] =	ssyncadd.s32 $0xFFFFFFFF  }
0xab: {  	s26 =	simm.s32 $execute0_lowered;
	[smem:$0x3FD2] =	sst s25  }
0xac: {  	s5 =	sshll.u32 s26, $0x1;
	_ =	strace $0x80000046;
	[dreg:$0x1] =	wrdreg $0xFFFFFFFF  }
0xad: {  	s28 =	simm.s32 $_size_execute0_lowered;
	s3 =	sadd.s32 s3, s5;
	[dreg:$0x0] =	wrdreg $0x0  }
0xae: {  	s5 =	sshll.u32 s28, $0x1;
	[dreg:$0x2] =	wrdreg s3  }
0xaf: {  	[dreg:$0x3] =	wrdreg s5  }
0xb0: {  	[dreg:$0x4] =	wrdreg $0xC0  }
0xb1: {  	_ =	task [dreg:s7], $0x5FFFF  }
0xb2: {  	[dreg:$0x1] =	wrdreg $0xFFFFFFFF  }
0xb3: {  	[dreg:$0x0] =	wrdreg $0x60  }
0xb4: {  	[dreg:$0x2] =	wrdreg s24  }
0xb5: {  	[dreg:$0x3] =	wrdreg s16  }
0xb6: {  	[dreg:$0x4] =	wrdreg $0x9  }
0xb7: {  	_ =	task.clear_ibuf [dreg:s7], $0x5FFFF;
	_ =	strace $0x90000046  }
0xb8: {  	s29 =	simm.s32 $0x9;
	_ =	strace $0x80000048  }
0xb9: {  	_ =	swait.ge [sflag:s29], $0x1  }
0xba: {  	[sflag:s29] =	ssyncadd.s32 $0xFFFFFFFF  }
0xbb: {  	_ =	strace $0x90000048  }
0xbc: {  	_ =	sfence  }
0xbd: {  	s30 =	sld [smem:$0x0];
	_ =	sdelay $0x2  }
0xbe: {  	s31 =	sshll.u32 s1, $0xD;
	s1 =	sshrl.u32 s1, $0x2  }
0xbf: {  	s3 =	sand.u32 $0x4000, s31;
	s1 =	sadd.s32 s1, s30  }
0xc0: {  	s0 =	sor.u32 s3, s0;
	s1 =	sshll.u32 s1, $0x11  }
0xc1: {  	s0 =	sor.u32 s1, s0  }
0xc2: {  	s0 =	sadd.s32 $0x8F2B, s0  }
0xc3: {  	[sflag:s0] =	ssyncadd.remote.s32 $0x1  }
0xc4: {  	_ =	sfence.sel $0xFFFF  }
0xc5: {  	[dreg:$0x0] =	wrdreg $0xFFFFFFFF;
	(pc) =	sbr.abs _section_cstart, $3  }
0xc6: {  	[dreg:$0x1] =	wrdreg $0xFFFFFFFF  }
0xc7: {  	_ =	task.clear_ibuf [dreg:s7], $0x2FFFF;
	_ =	strace $0x9FFFFFFF  }
0xc8: {  	(tm) =	ssettm $0x7FFFFFFF  }
0xc9: {  	_ =	shalt  }
tec
execute0_lowered:
.L_overlay_start_1:
0x0: {  	(tag) =	ssettag $0x1  }
0x1: {  	s0 =	srdreg.scid;
	s12 =	rddreg [dreg:$0x0]  }
0x2: {  	s3 =	stileid.u32;
	s13 =	rddreg [dreg:$0x1];
	s31 =	simm.s32 $0x880  }
0x3: {  	s15 =	simm.s32 $0x3880;
	s16 =	simm.s32 $0x4080;
	s17 =	simm.s32 $0x4880  }
0x4: {  	s18 =	simm.s32 $0x5080;
	p0 =	por $0x0, $0x0;
	s28 =	simm.s32 $0x7080  }
0x5: {  	s29 =	simm.s32 $0x7880;
	s30 =	simm.s32 $0x1;
	s14 =	simm.s32 $0x400  }
0x6: {  	s0 =	sand.u32 $0x1, s0;
	s1 =	sshll.u32 s3, $0x8;
	s4 =	sshrl.u32 s3, $0x2  }
0x7: {  	s19 =	sadd.s32 $0x800, s12;
	s20 =	sadd.s32 $0x1000, s12;
	s21 =	sadd.s32 $0x1800, s12  }
0x8: {  	s22 =	sadd.s32 $0x2000, s12;
	s23 =	sadd.s32 $0x2800, s12;
	s24 =	sadd.s32 $0x3000, s12  }
0x9: {  	s25 =	sadd.s32 $0x3800, s12;
	s2 =	sshll.u32 s0, $0x7;
	s1 =	sand.u32 $0x300, s1  }
0xa: {  	s26 =	sadd.s32 $0x4000, s12;
	s1 =	sor.u32 s2, s1;
	s2 =	simm.s32 $0x0  }
0xb: {  	s7 =	sadd.s32 $0x5000, s12;
	s8 =	sadd.s32 $0x5800, s12;
	[smem:$0x7FF] =	sst s2  }
0xc: {  	s9 =	sadd.s32 $0x6000, s12;
	_ =	strace $0x80000047;
	[dreg:$0x4] =	wrdreg s19  }
0xd: {  	s10 =	sadd.s32 $0x6800, s12;
	s11 =	sadd.s32 $0x7000, s12;
	[dreg:$0x5] =	wrdreg s20  }
0xe: {  	s5 =	sshll.u32 s4, $0xA;
	s0 =	ssub.s32 $0x2, s0;
	[dreg:$0x6] =	wrdreg s21  }
0xf: {  	s4 =	smul.u32 $0x3E800, s4;
	s6 =	sshrl.u32 s0, $0x1;
	[dreg:$0x7] =	wrdreg s22  }
0x10: {  	s5 =	sor.u32 s5, s1;
	s0 =	ssub.s32 s0, s6;
	[dreg:$0x8] =	wrdreg s23  }
0x11: {  	s6 =	sadd.s32 $0x4800, s12;
	s1 =	sor.u32 s4, s1;
	[dreg:$0x9] =	wrdreg s24  }
0x12: {  	s4 =	simm.s32 $0x2;
	s5 =	sshrl.u32 s5, $0x3;
	[dreg:$0xa] =	wrdreg s25  }
0x13: {  	[dreg:$0xb] =	wrdreg s26;
	s1 =	sshrl.u32 s1, $0x3;
	s0 =	smax.u32 s0, $0x1  }
0x14: {  	s25 =	simm.s32 $0x1080;
	s24 =	simm.s32 $0x1880;
	p1 =	sne.s32 s0, $0x1  }
.Ltmp0:
0x15: {  	s22 =	simm.s32 $0x2080;
	s21 =	simm.s32 $0x2880;
	(pc) =	sbr.rel @!p1 .LBB2_1-.Ltmp0, $4  }
0x16: {  	s20 =	simm.s32 $0x3080;
	s19 =	simm.s32 $0x5880;
	s5 =	sadd.s32 s5, s12  }
0x17: {  	s23 =	simm.s32 $0x6080;
	s26 =	simm.s32 $0x6880;
	s5 =	sadd.s32 $0x3E8000, s5  }
0x18: {  	v0 =	vimm.s32 $0x0;
	v1 =	vlaneseq.u32;
	s12 =	sadd.s32 $0x7800, s12;
	[dreg:$0x3] =	wrdreg s5;
	s5 =	sadd.s32 s13, s1  }
0x19: {  	vm0 =	vmmov $0xffff;
	vm1 =	vmmov $0x3ff;
	v1 =	vmul.u32 $0x8, v1;
	s13 =	simm.s32 $0x80;
	s1 =	sadd.s32 $0xFFFFFFFF, s0;
	s0 =	rddreg [dreg:$0x3]  }
0x1a: {  	[tilespmem:s2], [sflag:$0x2] =	stream.linear.gather [hbm4b:s0+s2], $0x80, $0x38;
	[tilespmem:$0x7D80] =	vst v63  }
0x1b: {  	_ =	swait.ge [sflag:s4], $0x80  }
0x1c: {  	[sflag:s4] =	ssyncset.done $0x0  }
0x1d: {  	[sflag:s4] =	ssyncadd.s32 $0xFFFFFF80  }
0x1e: {  	v2 =	vld.msk [tilespmem:$0x0], $0x1;
	_ =	sdelay $0x4  }
0x1f: {  	v3 =	vshrl.u32 v2, $0x3  }
0x20: {  	v3 =	vmul.u32 $0x7D0, v3  }
0x21: {  	v2 =	vand.u32 $0x7, v2  }
0x22: {  	v2 =	vor.u32 v2, v3  }
0x23: {  	v2 =	vperm.xlane v2, v0;
	_ =	sdelay $0x1  }
0x24: {  	v2 =	vadd.s32 v1, v2;
	_ =	sdelay $0x3  }
0x25: {  	s3 =	smov.u32 s1;
	s1 =	rddreg [dreg:$0x0]  }
0x26: {  	[tilespmem:s13], [sflag:$0x1] =	stream.indirect_vreg.gather [hbm4b:s1+s2], $0x80, v2, vm0, $0xb8;
	[tilespmem:$0x7D80] =	vst v63  }
0x27: {  	s0 =	rddreg [dreg:$0x4]  }
0x28: {  	[tilespmem:s31], [sflag:$0x1] =	stream.indirect_vreg.gather [hbm4b:s0+s2], $0x80, v2, vm0, $0xb8;
	[tilespmem:$0x7D80] =	vst v63  }
0x29: {  	s1 =	rddreg [dreg:$0x5]  }
0x2a: {  	[tilespmem:s25], [sflag:$0x1] =	stream.indirect_vreg.gather [hbm4b:s1+s2], $0x80, v2, vm0, $0xb8;
	[tilespmem:$0x7D80] =	vst v63  }
0x2b: {  	s0 =	rddreg [dreg:$0x6]  }
0x2c: {  	[tilespmem:s24], [sflag:$0x1] =	stream.indirect_vreg.gather [hbm4b:s0+s2], $0x80, v2, vm0, $0xb8;
	[tilespmem:$0x7D80] =	vst v63  }
0x2d: {  	s1 =	rddreg [dreg:$0x7]  }
0x2e: {  	[tilespmem:s22], [sflag:$0x1] =	stream.indirect_vreg.gather [hbm4b:s1+s2], $0x80, v2, vm0, $0xb8;
	[tilespmem:$0x7D80] =	vst v63  }
0x2f: {  	s0 =	rddreg [dreg:$0x8]  }
0x30: {  	[tilespmem:s21], [sflag:$0x1] =	stream.indirect_vreg.gather [hbm4b:s0+s2], $0x80, v2, vm0, $0xb8;
	[tilespmem:$0x7D80] =	vst v63  }
0x31: {  	s1 =	rddreg [dreg:$0x9]  }
0x32: {  	[tilespmem:s20], [sflag:$0x1] =	stream.indirect_vreg.gather [hbm4b:s1+s2], $0x80, v2, vm0, $0xb8;
	[tilespmem:$0x7D80] =	vst v63  }
0x33: {  	s0 =	rddreg [dreg:$0xa]  }
0x34: {  	[tilespmem:s15], [sflag:$0x1] =	stream.indirect_vreg.gather [hbm4b:s0+s2], $0x80, v2, vm0, $0xb8;
	[tilespmem:$0x7D80] =	vst v63  }
0x35: {  	s1 =	rddreg [dreg:$0xb]  }
0x36: {  	[tilespmem:s16], [sflag:$0x1] =	stream.indirect_vreg.gather [hbm4b:s1+s2], $0x80, v2, vm0, $0xb8;
	[tilespmem:$0x7D80] =	vst v63  }
0x37: {  	_ = 	snop  }
0x38: {  	[tilespmem:s17], [sflag:$0x1] =	stream.indirect_vreg.gather [hbm4b:s6+s2], $0x80, v2, vm0, $0xb8;
	[tilespmem:$0x7D80] =	vst v63  }
0x39: {  	_ = 	snop  }
0x3a: {  	[tilespmem:s18], [sflag:$0x1] =	stream.indirect_vreg.gather [hbm4b:s7+s2], $0x80, v2, vm0, $0xb8;
	[tilespmem:$0x7D80] =	vst v63  }
0x3b: {  	_ = 	snop  }
0x3c: {  	[tilespmem:s19], [sflag:$0x1] =	stream.indirect_vreg.gather [hbm4b:s8+s2], $0x80, v2, vm0, $0xb8;
	[tilespmem:$0x7D80] =	vst v63  }
0x3d: {  	_ = 	snop  }
0x3e: {  	[tilespmem:s23], [sflag:$0x1] =	stream.indirect_vreg.gather [hbm4b:s9+s2], $0x80, v2, vm0, $0xb8;
	[tilespmem:$0x7D80] =	vst v63  }
0x3f: {  	_ = 	snop  }
0x40: {  	[tilespmem:s26], [sflag:$0x1] =	stream.indirect_vreg.gather [hbm4b:s10+s2], $0x80, v2, vm0, $0xb8;
	[tilespmem:$0x7D80] =	vst v63  }
0x41: {  	_ = 	snop  }
0x42: {  	[tilespmem:s28], [sflag:$0x1] =	stream.indirect_vreg.gather [hbm4b:s11+s2], $0x80, v2, vm0, $0xb8;
	[tilespmem:$0x7D80] =	vst v63  }
0x43: {  	_ = 	snop  }
0x44: {  	[tilespmem:s29], [sflag:$0x1] =	stream.indirect_vreg.gather [hbm4b:s12+s2], $0x80, v2, vm1, $0xb8;
	[tilespmem:$0x7D80] =	vst v63  }
0x45: {  	p1 =	sne.s32 s3, $0x1;
	_ =	swait.ge [sflag:s30], $0x7D00  }
.Ltmp1:
0x46: {  	[sflag:s30] =	ssyncset.done $0x0;
	(pc) =	sbr.rel @!p1 .LBB2_3-.Ltmp1, $4  }
0x47: {  	[sflag:s30] =	ssyncadd.s32 $0xFFFF8300  }
0x48: {  	[hbm4b:s5+s13] =	stream.strided.scatter [tilespmem:s13], [sflag:$0x2], $0x7D00, s14, s13, $0x38;
	[tilespmem:$0x7D80] =	vst v63  }
0x49: {  	p0 =	por $0x1, $0x1;
	_ =	swait.ge [sflag:s4], $0x7D00  }
0x4a: {  	s1 =	sadd.s32 $0xFFFFFFFF, s3;
	s0 =	rddreg [dreg:$0x3];
	[sflag:s4] =	ssyncset.done $0x0  }
.LBB2_4:
0x4b: {  	[sflag:s4] =	ssyncadd.s32 $0xFFFF8300  }
0x4c: {  	[tilespmem:s2], [sflag:$0x2] =	stream.linear.gather [hbm4b:s0+s2], $0x80, $0x38;
	[tilespmem:$0x7D80] =	vst v63  }
0x4d: {  	_ =	swait.ge [sflag:s4], $0x80  }
0x4e: {  	[sflag:s4] =	ssyncset.done $0x0  }
0x4f: {  	[sflag:s4] =	ssyncadd.s32 $0xFFFFFF80  }
0x50: {  	v2 =	vld.msk [tilespmem:$0x0], $0x1;
	_ =	sdelay $0x4  }
0x51: {  	v3 =	vshrl.u32 v2, $0x3  }
0x52: {  	v3 =	vmul.u32 $0x7D0, v3  }
0x53: {  	v2 =	vand.u32 $0x7, v2  }
0x54: {  	v2 =	vor.u32 v2, v3  }
0x55: {  	v2 =	vperm.xlane v2, v0;
	_ =	sdelay $0x1  }
0x56: {  	v2 =	vadd.s32 v1, v2;
	_ =	sdelay $0x3  }
0x57: {  	s3 =	rddreg [dreg:$0x0]  }
0x58: {  	[tilespmem:s13], [sflag:$0x1] =	stream.indirect_vreg.gather [hbm4b:s3+s2], $0x80, v2, vm0, $0xb8;
	[tilespmem:$0x7D80] =	vst v63  }
0x59: {  	s0 =	rddreg [dreg:$0x4]  }
0x5a: {  	[tilespmem:s31], [sflag:$0x1] =	stream.indirect_vreg.gather [hbm4b:s0+s2], $0x80, v2, vm0, $0xb8;
	[tilespmem:$0x7D80] =	vst v63  }
0x5b: {  	s3 =	rddreg [dreg:$0x5]  }
0x5c: {  	[tilespmem:s25], [sflag:$0x1] =	stream.indirect_vreg.gather [hbm4b:s3+s2], $0x80, v2, vm0, $0xb8;
	[tilespmem:$0x7D80] =	vst v63  }
0x5d: {  	s0 =	rddreg [dreg:$0x6]  }
0x5e: {  	[tilespmem:s24], [sflag:$0x1] =	stream.indirect_vreg.gather [hbm4b:s0+s2], $0x80, v2, vm0, $0xb8;
	[tilespmem:$0x7D80] =	vst v63  }
0x5f: {  	s3 =	rddreg [dreg:$0x7]  }
0x60: {  	[tilespmem:s22], [sflag:$0x1] =	stream.indirect_vreg.gather [hbm4b:s3+s2], $0x80, v2, vm0, $0xb8;
	[tilespmem:$0x7D80] =	vst v63  }
0x61: {  	s0 =	rddreg [dreg:$0x8]  }
0x62: {  	[tilespmem:s21], [sflag:$0x1] =	stream.indirect_vreg.gather [hbm4b:s0+s2], $0x80, v2, vm0, $0xb8;
	[tilespmem:$0x7D80] =	vst v63  }
0x63: {  	s3 =	rddreg [dreg:$0x9]  }
0x64: {  	[tilespmem:s20], [sflag:$0x1] =	stream.indirect_vreg.gather [hbm4b:s3+s2], $0x80, v2, vm0, $0xb8;
	[tilespmem:$0x7D80] =	vst v63  }
0x65: {  	s0 =	rddreg [dreg:$0xa]  }
0x66: {  	[tilespmem:s15], [sflag:$0x1] =	stream.indirect_vreg.gather [hbm4b:s0+s2], $0x80, v2, vm0, $0xb8;
	[tilespmem:$0x7D80] =	vst v63  }
0x67: {  	s3 =	rddreg [dreg:$0xb]  }
0x68: {  	[tilespmem:s16], [sflag:$0x1] =	stream.indirect_vreg.gather [hbm4b:s3+s2], $0x80, v2, vm0, $0xb8;
	[tilespmem:$0x7D80] =	vst v63  }
0x69: {  	_ = 	snop  }
0x6a: {  	[tilespmem:s17], [sflag:$0x1] =	stream.indirect_vreg.gather [hbm4b:s6+s2], $0x80, v2, vm0, $0xb8;
	[tilespmem:$0x7D80] =	vst v63  }
0x6b: {  	_ = 	snop  }
0x6c: {  	[tilespmem:s18], [sflag:$0x1] =	stream.indirect_vreg.gather [hbm4b:s7+s2], $0x80, v2, vm0, $0xb8;
	[tilespmem:$0x7D80] =	vst v63  }
0x6d: {  	_ = 	snop  }
0x6e: {  	[tilespmem:s19], [sflag:$0x1] =	stream.indirect_vreg.gather [hbm4b:s8+s2], $0x80, v2, vm0, $0xb8;
	[tilespmem:$0x7D80] =	vst v63  }
0x6f: {  	_ = 	snop  }
0x70: {  	[tilespmem:s23], [sflag:$0x1] =	stream.indirect_vreg.gather [hbm4b:s9+s2], $0x80, v2, vm0, $0xb8;
	[tilespmem:$0x7D80] =	vst v63  }
0x71: {  	_ = 	snop  }
0x72: {  	[tilespmem:s26], [sflag:$0x1] =	stream.indirect_vreg.gather [hbm4b:s10+s2], $0x80, v2, vm0, $0xb8;
	[tilespmem:$0x7D80] =	vst v63  }
0x73: {  	_ = 	snop  }
0x74: {  	[tilespmem:s28], [sflag:$0x1] =	stream.indirect_vreg.gather [hbm4b:s11+s2], $0x80, v2, vm0, $0xb8;
	[tilespmem:$0x7D80] =	vst v63  }
0x75: {  	_ = 	snop  }
0x76: {  	[tilespmem:s29], [sflag:$0x1] =	stream.indirect_vreg.gather [hbm4b:s12+s2], $0x80, v2, vm1, $0xb8;
	[tilespmem:$0x7D80] =	vst v63  }
0x77: {  	p1 =	sne.s32 s1, $0x1;
	_ =	swait.ge [sflag:s30], $0x7D00  }
.Ltmp2:
0x78: {  	[sflag:s30] =	ssyncset.done $0x0;
	(pc) =	sbr.rel @p1 .LBB2_4-.Ltmp2, $4  }
0x79: {  	[sflag:s30] =	ssyncadd.s32 $0xFFFF8300  }
0x7a: {  	[hbm4b:s5+s13] =	stream.strided.scatter [tilespmem:s13], [sflag:$0x2], $0x7D00, s14, s13, $0x38;
	[tilespmem:$0x7D80] =	vst v63  }
0x7b: {  	_ =	swait.ge [sflag:s4], $0x7D00  }
0x7c: {  	s1 =	sadd.s32 $0xFFFFFFFF, s1;
	s0 =	rddreg [dreg:$0x3];
	[sflag:s4] =	ssyncset.done $0x0  }
0x7d: {  	s14 =	simm.s32 $0x400;
	s31 =	simm.s32 $0x880;
	s29 =	simm.s32 $0x7880  }
0x7e: {  	s28 =	simm.s32 $0x7080;
	s26 =	simm.s32 $0x6880;
	s25 =	simm.s32 $0x1080  }
0x7f: {  	s24 =	simm.s32 $0x1880;
	s23 =	simm.s32 $0x6080;
	s22 =	simm.s32 $0x2080  }
0x80: {  	s21 =	simm.s32 $0x2880;
	s20 =	simm.s32 $0x3080;
	s19 =	simm.s32 $0x5880  }
0x81: {  	s18 =	simm.s32 $0x5080;
	s17 =	simm.s32 $0x4880;
	s16 =	simm.s32 $0x4080  }
0x82: {  	s15 =	simm.s32 $0x3880;
	s1 =	rddreg [dreg:$0x0];
	s3 =	stileid.u32  }
.LBB2_6:
0x83: {  	[sflag:s4] =	ssyncadd.s32 @p0 $0xFFFF8300  }
0x84: {  	[tilespmem:s2], [sflag:$0x2] =	stream.linear.gather [hbm4b:s0+s2], $0x80, $0x38;
	[tilespmem:$0x7D80] =	vst v63  }
0x85: {  	_ =	swait.ge [sflag:s4], $0x80  }
0x86: {  	[sflag:s4] =	ssyncset.done $0x0  }
0x87: {  	[sflag:s4] =	ssyncadd.s32 $0xFFFFFF80  }
0x88: {  	v2 =	vld.msk [tilespmem:$0x0], $0x1;
	_ =	sdelay $0x4  }
0x89: {  	v3 =	vshrl.u32 v2, $0x3  }
0x8a: {  	v3 =	vmul.u32 $0x7D0, v3  }
0x8b: {  	v2 =	vand.u32 $0x7, v2  }
0x8c: {  	v2 =	vor.u32 v2, v3  }
0x8d: {  	v0 =	vperm.xlane v2, v0;
	_ =	sdelay $0x1  }
0x8e: {  	v0 =	vadd.s32 v1, v0;
	_ =	sdelay $0x4  }
0x8f: {  	[tilespmem:s13], [sflag:$0x1] =	stream.indirect_vreg.gather [hbm4b:s1+s2], $0x80, v0, vm0, $0xb8;
	[tilespmem:$0x7D80] =	vst v63  }
0x90: {  	s0 =	rddreg [dreg:$0x4]  }
0x91: {  	[tilespmem:s31], [sflag:$0x1] =	stream.indirect_vreg.gather [hbm4b:s0+s2], $0x80, v0, vm0, $0xb8;
	[tilespmem:$0x7D80] =	vst v63  }
0x92: {  	s1 =	rddreg [dreg:$0x5]  }
0x93: {  	[tilespmem:s25], [sflag:$0x1] =	stream.indirect_vreg.gather [hbm4b:s1+s2], $0x80, v0, vm0, $0xb8;
	[tilespmem:$0x7D80] =	vst v63  }
0x94: {  	s31 =	rddreg [dreg:$0x6]  }
0x95: {  	[tilespmem:s24], [sflag:$0x1] =	stream.indirect_vreg.gather [hbm4b:s31+s2], $0x80, v0, vm0, $0xb8;
	[tilespmem:$0x7D80] =	vst v63  }
0x96: {  	s25 =	rddreg [dreg:$0x7]  }
0x97: {  	[tilespmem:s22], [sflag:$0x1] =	stream.indirect_vreg.gather [hbm4b:s25+s2], $0x80, v0, vm0, $0xb8;
	[tilespmem:$0x7D80] =	vst v63  }
0x98: {  	s31 =	rddreg [dreg:$0x8]  }
0x99: {  	[tilespmem:s21], [sflag:$0x1] =	stream.indirect_vreg.gather [hbm4b:s31+s2], $0x80, v0, vm0, $0xb8;
	[tilespmem:$0x7D80] =	vst v63  }
0x9a: {  	s24 =	rddreg [dreg:$0x9]  }
0x9b: {  	[tilespmem:s20], [sflag:$0x1] =	stream.indirect_vreg.gather [hbm4b:s24+s2], $0x80, v0, vm0, $0xb8;
	[tilespmem:$0x7D80] =	vst v63  }
0x9c: {  	s25 =	rddreg [dreg:$0xa]  }
0x9d: {  	[tilespmem:s15], [sflag:$0x1] =	stream.indirect_vreg.gather [hbm4b:s25+s2], $0x80, v0, vm0, $0xb8;
	[tilespmem:$0x7D80] =	vst v63  }
0x9e: {  	s31 =	rddreg [dreg:$0xb]  }
0x9f: {  	[tilespmem:s16], [sflag:$0x1] =	stream.indirect_vreg.gather [hbm4b:s31+s2], $0x80, v0, vm0, $0xb8;
	[tilespmem:$0x7D80] =	vst v63  }
0xa0: {  	_ = 	snop  }
0xa1: {  	[tilespmem:s17], [sflag:$0x1] =	stream.indirect_vreg.gather [hbm4b:s6+s2], $0x80, v0, vm0, $0xb8;
	[tilespmem:$0x7D80] =	vst v63  }
0xa2: {  	_ = 	snop  }
0xa3: {  	[tilespmem:s18], [sflag:$0x1] =	stream.indirect_vreg.gather [hbm4b:s7+s2], $0x80, v0, vm0, $0xb8;
	[tilespmem:$0x7D80] =	vst v63  }
0xa4: {  	_ = 	snop  }
0xa5: {  	[tilespmem:s19], [sflag:$0x1] =	stream.indirect_vreg.gather [hbm4b:s8+s2], $0x80, v0, vm0, $0xb8;
	[tilespmem:$0x7D80] =	vst v63  }
0xa6: {  	_ = 	snop  }
0xa7: {  	[tilespmem:s23], [sflag:$0x1] =	stream.indirect_vreg.gather [hbm4b:s9+s2], $0x80, v0, vm0, $0xb8;
	[tilespmem:$0x7D80] =	vst v63  }
0xa8: {  	_ = 	snop  }
0xa9: {  	[tilespmem:s26], [sflag:$0x1] =	stream.indirect_vreg.gather [hbm4b:s10+s2], $0x80, v0, vm0, $0xb8;
	[tilespmem:$0x7D80] =	vst v63  }
0xaa: {  	_ = 	snop  }
0xab: {  	[tilespmem:s28], [sflag:$0x1] =	stream.indirect_vreg.gather [hbm4b:s11+s2], $0x80, v0, vm0, $0xb8;
	[tilespmem:$0x7D80] =	vst v63  }
0xac: {  	_ = 	snop  }
0xad: {  	[tilespmem:s29], [sflag:$0x1] =	stream.indirect_vreg.gather [hbm4b:s12+s2], $0x80, v0, vm1, $0xb8;
	[tilespmem:$0x7D80] =	vst v63  }
0xae: {  	_ =	swait.ge [sflag:s30], $0x7D00  }
0xaf: {  	[sflag:s30] =	ssyncset.done $0x0  }
0xb0: {  	[sflag:s30] =	ssyncadd.s32 $0xFFFF8300  }
0xb1: {  	[hbm4b:s5+s13] =	stream.strided.scatter [tilespmem:s13], [sflag:$0x2], $0x7D00, s14, s13, $0x38;
	[tilespmem:$0x7D80] =	vst v63  }
0xb2: {  	_ =	swait.ge [sflag:s4], $0x7D00  }
0xb3: {  	[sflag:s4] =	ssyncset.done $0x0  }
0xb4: {  	[sflag:s4] =	ssyncadd.s32 $0xFFFF8300  }
0xb5: {  	_ =	sfence.sel $0x180000  }
0xb6: {  	[bflag:$0x0] =	sbarrier.arrive $0xFFFF  }
0xb7: {  	_ =	strace $0x90000047  }
0xb8: {  	[bflag:$0x2] =	sbarrier.arrive $0xFFFF  }
0xb9: {  	p0 =	sne.s32 s3, $0x0;
	s0 =	rddreg [dreg:$0x2]  }
0xba: {  	s0 =	sadd.s32 @!p0 $0x100000, s0  }
0xbb: {  	[sflag:s0] =	ssyncadd.tile.s32 @!p0 $0x1;
	_ =	shalt  }
.LBB2_1:
0xbc: {  	s14 =	simm.s32 $0x400;
	s31 =	simm.s32 $0x880;
	s29 =	simm.s32 $0x7880  }
.Ltmp3:
0xbd: {  	s28 =	simm.s32 $0x7080;
	s26 =	simm.s32 $0x6880;
	(pc) =	sbr.rel .LBB2_6-.Ltmp3, $4  }
0xbe: {  	s25 =	simm.s32 $0x1080;
	s24 =	simm.s32 $0x1880;
	s23 =	simm.s32 $0x6080  }
0xbf: {  	s22 =	simm.s32 $0x2080;
	s21 =	simm.s32 $0x2880;
	s20 =	simm.s32 $0x3080  }
0xc0: {  	s19 =	simm.s32 $0x5880;
	s18 =	simm.s32 $0x5080;
	s17 =	simm.s32 $0x4880  }
0xc1: {  	s16 =	simm.s32 $0x4080;
	s15 =	simm.s32 $0x3880;
	s1 =	rddreg [dreg:$0x0]  }
.LBB2_3:
0xc2: {  	s14 =	simm.s32 $0x400  }
0xc3: {  	s31 =	simm.s32 $0x880;
	s29 =	simm.s32 $0x7880;
	s28 =	simm.s32 $0x7080  }
.Ltmp4:
0xc4: {  	s26 =	simm.s32 $0x6880;
	s25 =	simm.s32 $0x1080;
	(pc) =	sbr.rel .LBB2_6-.Ltmp4, $4  }
0xc5: {  	s24 =	simm.s32 $0x1880;
	s23 =	simm.s32 $0x6080;
	s22 =	simm.s32 $0x2080  }
0xc6: {  	s21 =	simm.s32 $0x2880;
	s20 =	simm.s32 $0x3080;
	s19 =	simm.s32 $0x5880  }
0xc7: {  	s18 =	simm.s32 $0x5080;
	s17 =	simm.s32 $0x4880;
	s16 =	simm.s32 $0x4080  }
0xc8: {  	s15 =	simm.s32 $0x3880;
	s1 =	rddreg [dreg:$0x0];
	s3 =	stileid.u32  }
.Lfunc_end2:
_tile_overlayer_lowered:
.L_overlay_start_2:
0xc9: {  	(tag) =	ssettag $0x2  }
0xca: {  	s0 =	rddreg [dreg:$0x0];
	s2 =	stileid.u32  }
0xcb: {  	s1 =	rddreg [dreg:$0x1];
	p0 =	sne.s32 s2, $0x0  }
0xcc: {  	s3 =	rddreg [dreg:$0x2];
	[bflag:$0x3] =	sbarrier.arrive $0xFFFF;
	s2 =	simm.s32 @!p0 $0x1C02  }
0xcd: {  	[timem:s3], [sflag:s2] =	dma.local @!p0 [hbm:s0], s1  }
0xce: {  	s0 =	simm.s32 @!p0 $0x2  }
0xcf: {  	_ =	swait.ge @!p0 [sflag:s0], s1  }
0xd0: {  	s1 =	ssub.s32 @!p0 $0x0, s1;
	[sflag:s0] =	ssyncset.done @!p0 $0x0  }
0xd1: {  	[sflag:s0] =	ssyncadd.s32 @!p0 s1  }
0xd2: {  	[bflag:$0x3] =	sbarrier.arrive $0xFFFF  }
0xd3: {  	_ =	shalt  }

</sc_bundles>
